<compile_context>
chip_gen: v7x
topology: tpu7x:2x2x1
jax: 0.10.2.dev20260603
libtpu: 0.0.44.dev20260713+nightly
codegen_flags: <defaults>
</compile_context>

<pallas_src>
import functools

import jax
import jax.numpy as jnp
from jax import lax
from jax.experimental import pallas as pl
from jax.experimental.pallas import tpu as pltpu
from jax.experimental.pallas import tpu_sc as plsc

D_MODEL = 64
NC, NS = 2, 16
NW = NC * NS
CH = 1


def _sc_probe(hl_hbm, out_hbm, inb, outb, insem, outsem):
    B = out_hbm.shape[0]
    per_w = B // NW
    n_ch = per_w // CH
    wid = lax.axis_index("s") * NC + lax.axis_index("c")
    base = wid * per_w

    def in_copy(j, slot):
        return pltpu.make_async_copy(
            hl_hbm.at[pl.ds(base + j * CH, CH)], inb.at[slot], insem.at[slot]
        )

    def out_copy(j, slot):
        return pltpu.make_async_copy(
            outb.at[slot], out_hbm.at[pl.ds(base + j * CH, CH)], outsem.at[slot]
        )

    in_copy(0, 0).start()
    in_copy(1, 1).start()

    def step(j, carry):
        slot = lax.rem(j, 2)
        in_copy(j, slot).wait()

        @pl.when(j >= 2)
        def _():
            out_copy(j - 2, slot).wait()

        out_copy(j, slot).start()

        @pl.when(j + 2 < n_ch)
        def _():
            in_copy(j + 2, slot).start()

        return carry

    lax.fori_loop(0, n_ch, step, 0)
    out_copy(n_ch - 2, 0).wait()
    out_copy(n_ch - 1, 1).wait()


def kernel(hand_levels, type_emb, W, b, gamma, beta):
    B, N, _ = hand_levels.shape
    k = functools.partial(
        pl.kernel,
        out_type=jax.ShapeDtypeStruct((B, N, D_MODEL), jnp.float32),
        mesh=plsc.VectorSubcoreMesh(core_axis_name="c", subcore_axis_name="s"),
        scratch_types=[
            pltpu.VMEM((2, CH, N, 3), jnp.float32),
            pltpu.VMEM((2, CH, N, D_MODEL), jnp.float32),
            pltpu.SemaphoreType.DMA((2,)),
            pltpu.SemaphoreType.DMA((2,)),
        ],
    )(_sc_probe)
    return k(hand_levels)

# --- scband reference (transcript-rebuilt; emitter-appended) ---
"""Pipeline reference for scband-hand-level-embedding-68547678044238 (READ-ONLY COPY).

The authoritative reference and input builder live on the scoring server;
editing this copy changes nothing except your own understanding.
"""

import jax, jax.numpy as jnp
import numpy as np

HAND_TYPE_COUNT = 13
D_MODEL = 64
B, N = 4096, 200


def setup_inputs(seed: int = 0) -> dict:
    key = jax.random.key(seed)
    k1, k2, k3, k4 = jax.random.split(key, 4)
    ids = jax.random.randint(k1, (B, N), 0, HAND_TYPE_COUNT).astype(jnp.float32)
    feats = jax.random.normal(k2, (B, N, 2), dtype=jnp.float32)
    hand_levels = jnp.concatenate([ids[..., None], feats], axis=-1)
    type_emb = jax.random.normal(k3, (HAND_TYPE_COUNT, D_MODEL), dtype=jnp.float32) * 0.02
    W = jax.random.normal(k4, (2, D_MODEL), dtype=jnp.float32) * (1.0 / np.sqrt(2.0))
    b = jnp.zeros((D_MODEL,), dtype=jnp.float32)
    gamma = jnp.ones((D_MODEL,), dtype=jnp.float32)
    beta = jnp.zeros((D_MODEL,), dtype=jnp.float32)
    return {"hand_levels": hand_levels, "type_emb": type_emb, "W": W, "b": b, "gamma": gamma, "beta": beta}


def reference(hand_levels, type_emb, W, b, gamma, beta):
    ht_ids = hand_levels[:, :, 0].astype(jnp.int32)
    hl_feats = hand_levels[:, :, 1:].astype(jnp.float32)
    emb = jnp.take(type_emb, ht_ids, axis=0)
    proj = hl_feats @ W + b
    x = emb + proj
    mu = jnp.mean(x, axis=-1, keepdims=True)
    var = jnp.var(x, axis=-1, keepdims=True)
    xn = (x - mu) / jnp.sqrt(var + 1e-5)
    return xn * gamma + beta

if __name__ == "__main__":
    import jax
    _d = setup_inputs()
    print(jax.jit(kernel)(*tuple(_d.values())))

</pallas_src>

<mosaic_0001>
#map = affine_map<(d0, d1) -> (0, 0, 0)>
module attributes {stable_mosaic.version = 14 : i64} {
  func.func @_sc_probe(%arg0: i32, %arg1: i32, %arg2: memref<4096x200x3xf32, #tpu.memory_space<hbm>>, %arg3: memref<4096x200x64xf32, #tpu.memory_space<hbm>>, %arg4: memref<2x1x200x3xf32, #tpu.memory_space<vmem>>, %arg5: memref<2x1x200x64xf32, #tpu.memory_space<vmem>>, %arg6: memref<2x!tpu.dma_semaphore, #tpu.memory_space<semaphore_mem>>, %arg7: memref<2x!tpu.dma_semaphore, #tpu.memory_space<semaphore_mem>>) attributes {dimension_semantics = [#tpu.dimension_semantics<core_parallel>, #tpu.dimension_semantics<subcore_parallel>], iteration_bounds = array<i64: 2, 16>, scalar_prefetch = 0 : i64, scratch_operands = 4 : i64, tpu.core_type = #tpu.core_type<sc_vector_subcore>, window_params = [{transform_indices = #map}, {transform_indices = #map}]} {
    %mul3A = arith.constant 2 : i32
    %mul3A_0 = arith.muli %arg1, %mul3A : i32
    %add3A = arith.addi %mul3A_0, %arg0 : i32
    %mul3A_1 = arith.constant 128 : i32
    %mul3A_2 = arith.muli %add3A, %mul3A_1 : i32
    %add3A_3 = arith.constant 0 : i32
    %add3A_4 = arith.addi %mul3A_2, %add3A_3 : i32
    %dma_start3A = arith.constant 0 : i32
    %dma_start3A_5 = arith.constant 0 : i32
    %dma_start3A_6 = arith.constant 0 : i32
    %dma_start3A_7 = arith.constant 0 : i32
    %dma_start3A_8 = arith.constant 0 : i32
    %dma_start3A_9 = tpu.memref_slice %arg4[%dma_start3A, %dma_start3A_6, %dma_start3A_7, %dma_start3A_8] : memref<2x1x200x3xf32, #tpu.memory_space<vmem>> -> memref<1x1x200x3xf32, #tpu.memory_space<vmem>>
    %dma_start3A_10 = tpu.memref_squeeze %dma_start3A_9 : memref<1x1x200x3xf32, #tpu.memory_space<vmem>> -> memref<1x200x3xf32, #tpu.memory_space<vmem>>
    %dma_start3A_11 = arith.constant 0 : i32
    %dma_start3A_12 = arith.constant 0 : i32
    %dma_start3A_13 = tpu.memref_slice %arg2[%add3A_4, %dma_start3A_11, %dma_start3A_12] : memref<4096x200x3xf32, #tpu.memory_space<hbm>> -> memref<1x200x3xf32, #tpu.memory_space<hbm>>
    %dma_start3A_14 = tpu.memref_slice %arg6[%dma_start3A_5] : memref<2x!tpu.dma_semaphore, #tpu.memory_space<semaphore_mem>> -> memref<1x!tpu.dma_semaphore, #tpu.memory_space<semaphore_mem>>
    %dma_start3A_15 = tpu.memref_squeeze %dma_start3A_14 : memref<1x!tpu.dma_semaphore, #tpu.memory_space<semaphore_mem>> -> memref<!tpu.dma_semaphore, #tpu.memory_space<semaphore_mem>>
    %dma_start3A_16 = arith.constant 0 : i32
    %dma_start3A_17 = arith.constant 0 : i32
    %dma_start3A_18 = arith.constant 0 : i32
    %dma_start3A_19 = tpu.memref_slice %arg4[%dma_start3A, %dma_start3A_16, %dma_start3A_17, %dma_start3A_18] : memref<2x1x200x3xf32, #tpu.memory_space<vmem>> -> memref<1x1x200x3xf32, #tpu.memory_space<vmem>>
    %dma_start3A_20 = tpu.memref_squeeze %dma_start3A_19 : memref<1x1x200x3xf32, #tpu.memory_space<vmem>> -> memref<1x200x3xf32, #tpu.memory_space<vmem>>
    %dma_start3A_21 = arith.constant 0 : i32
    %dma_start3A_22 = arith.constant 0 : i32
    %dma_start3A_23 = tpu.memref_slice %arg2[%add3A_4, %dma_start3A_21, %dma_start3A_22] : memref<4096x200x3xf32, #tpu.memory_space<hbm>> -> memref<1x200x3xf32, #tpu.memory_space<hbm>>
    tpu.enqueue_dma source(%dma_start3A_23 : memref<1x200x3xf32, #tpu.memory_space<hbm>>) target(%dma_start3A_20 : memref<1x200x3xf32, #tpu.memory_space<vmem>>) target_semaphore(%dma_start3A_15 : memref<!tpu.dma_semaphore, #tpu.memory_space<semaphore_mem>>)
    %add3A_24 = arith.constant 1 : i32
    %add3A_25 = arith.addi %mul3A_2, %add3A_24 : i32
    %dma_start3A_26 = arith.constant 1 : i32
    %dma_start3A_27 = arith.constant 1 : i32
    %dma_start3A_28 = arith.constant 0 : i32
    %dma_start3A_29 = arith.constant 0 : i32
    %dma_start3A_30 = arith.constant 0 : i32
    %dma_start3A_31 = tpu.memref_slice %arg4[%dma_start3A_26, %dma_start3A_28, %dma_start3A_29, %dma_start3A_30] : memref<2x1x200x3xf32, #tpu.memory_space<vmem>> -> memref<1x1x200x3xf32, #tpu.memory_space<vmem>>
    %dma_start3A_32 = tpu.memref_squeeze %dma_start3A_31 : memref<1x1x200x3xf32, #tpu.memory_space<vmem>> -> memref<1x200x3xf32, #tpu.memory_space<vmem>>
    %dma_start3A_33 = arith.constant 0 : i32
    %dma_start3A_34 = arith.constant 0 : i32
    %dma_start3A_35 = tpu.memref_slice %arg2[%add3A_25, %dma_start3A_33, %dma_start3A_34] : memref<4096x200x3xf32, #tpu.memory_space<hbm>> -> memref<1x200x3xf32, #tpu.memory_space<hbm>>
    %dma_start3A_36 = tpu.memref_slice %arg6[%dma_start3A_27] : memref<2x!tpu.dma_semaphore, #tpu.memory_space<semaphore_mem>> -> memref<1x!tpu.dma_semaphore, #tpu.memory_space<semaphore_mem>>
    %dma_start3A_37 = tpu.memref_squeeze %dma_start3A_36 : memref<1x!tpu.dma_semaphore, #tpu.memory_space<semaphore_mem>> -> memref<!tpu.dma_semaphore, #tpu.memory_space<semaphore_mem>>
    %dma_start3A_38 = arith.constant 0 : i32
    %dma_start3A_39 = arith.constant 0 : i32
    %dma_start3A_40 = arith.constant 0 : i32
    %dma_start3A_41 = tpu.memref_slice %arg4[%dma_start3A_26, %dma_start3A_38, %dma_start3A_39, %dma_start3A_40] : memref<2x1x200x3xf32, #tpu.memory_space<vmem>> -> memref<1x1x200x3xf32, #tpu.memory_space<vmem>>
    %dma_start3A_42 = tpu.memref_squeeze %dma_start3A_41 : memref<1x1x200x3xf32, #tpu.memory_space<vmem>> -> memref<1x200x3xf32, #tpu.memory_space<vmem>>
    %dma_start3A_43 = arith.constant 0 : i32
    %dma_start3A_44 = arith.constant 0 : i32
    %dma_start3A_45 = tpu.memref_slice %arg2[%add3A_25, %dma_start3A_43, %dma_start3A_44] : memref<4096x200x3xf32, #tpu.memory_space<hbm>> -> memref<1x200x3xf32, #tpu.memory_space<hbm>>
    tpu.enqueue_dma source(%dma_start3A_45 : memref<1x200x3xf32, #tpu.memory_space<hbm>>) target(%dma_start3A_42 : memref<1x200x3xf32, #tpu.memory_space<vmem>>) target_semaphore(%dma_start3A_37 : memref<!tpu.dma_semaphore, #tpu.memory_space<semaphore_mem>>)
    %scan3A = arith.constant 0 : i32
    %scan3A_46 = arith.constant 0 : i32
    %scan3A_47 = arith.constant 128 : i32
    %scan3A_48 = arith.addi %scan3A_46, %scan3A_47 : i32
    %scan3A_49 = arith.constant 1 : i32
    scf.for %scan3A_94 = %scan3A_46 to %scan3A_48 step %scan3A_49  : i32 {
      %rem3A = arith.constant 2 : i32
      %rem3A_95 = arith.remsi %scan3A_94, %rem3A : i32
      %mul3A_96 = arith.constant 1 : i32
      %mul3A_97 = arith.muli %scan3A_94, %mul3A_96 : i32
      %add3A_98 = arith.addi %mul3A_2, %mul3A_97 : i32
      %dma_wait3A_99 = arith.constant 0 : i32
      %dma_wait3A_100 = arith.constant 0 : i32
      %dma_wait3A_101 = arith.constant 0 : i32
      %dma_wait3A_102 = tpu.memref_slice %arg4[%rem3A_95, %dma_wait3A_99, %dma_wait3A_100, %dma_wait3A_101] : memref<2x1x200x3xf32, #tpu.memory_space<vmem>> -> memref<1x1x200x3xf32, #tpu.memory_space<vmem>>
      %dma_wait3A_103 = tpu.memref_squeeze %dma_wait3A_102 : memref<1x1x200x3xf32, #tpu.memory_space<vmem>> -> memref<1x200x3xf32, #tpu.memory_space<vmem>>
      %dma_wait3A_104 = arith.constant 0 : i32
      %dma_wait3A_105 = arith.constant 0 : i32
      %dma_wait3A_106 = tpu.memref_slice %arg2[%add3A_98, %dma_wait3A_104, %dma_wait3A_105] : memref<4096x200x3xf32, #tpu.memory_space<hbm>> -> memref<1x200x3xf32, #tpu.memory_space<hbm>>
      %dma_wait3A_107 = tpu.memref_slice %arg6[%rem3A_95] : memref<2x!tpu.dma_semaphore, #tpu.memory_space<semaphore_mem>> -> memref<1x!tpu.dma_semaphore, #tpu.memory_space<semaphore_mem>>
      %dma_wait3A_108 = tpu.memref_squeeze %dma_wait3A_107 : memref<1x!tpu.dma_semaphore, #tpu.memory_space<semaphore_mem>> -> memref<!tpu.dma_semaphore, #tpu.memory_space<semaphore_mem>>
      %dma_wait3A_109 = arith.constant 0 : i32
      %dma_wait3A_110 = arith.constant 0 : i32
      %dma_wait3A_111 = arith.constant 0 : i32
      %dma_wait3A_112 = tpu.memref_slice %arg4[%rem3A_95, %dma_wait3A_109, %dma_wait3A_110, %dma_wait3A_111] : memref<2x1x200x3xf32, #tpu.memory_space<vmem>> -> memref<1x1x200x3xf32, #tpu.memory_space<vmem>>
      %dma_wait3A_113 = tpu.memref_squeeze %dma_wait3A_112 : memref<1x1x200x3xf32, #tpu.memory_space<vmem>> -> memref<1x200x3xf32, #tpu.memory_space<vmem>>
      %dma_wait3A_114 = arith.constant 0 : i32
      %dma_wait3A_115 = arith.constant 0 : i32
      %dma_wait3A_116 = tpu.memref_slice %arg2[%add3A_98, %dma_wait3A_114, %dma_wait3A_115] : memref<4096x200x3xf32, #tpu.memory_space<hbm>> -> memref<1x200x3xf32, #tpu.memory_space<hbm>>
      tpu.wait_dma2 semaphore(%dma_wait3A_108 : memref<!tpu.dma_semaphore, #tpu.memory_space<semaphore_mem>>) src(%dma_wait3A_116 : memref<1x200x3xf32, #tpu.memory_space<hbm>>) dst(%dma_wait3A_113 : memref<1x200x3xf32, #tpu.memory_space<vmem>>)
      %ge3A = arith.constant 2 : i32
      %ge3A_117 = arith.cmpi sge, %scan3A_94, %ge3A : i32
      %convert_element_type3A = arith.extui %ge3A_117 : i1 to i32
      %cond3A = arith.constant 0 : i32
      %cond3A_118 = arith.cmpi ne, %convert_element_type3A, %cond3A : i32
      scf.if %cond3A_118 {
        %sub3A = arith.constant 2 : i32
        %sub3A_146 = arith.subi %scan3A_94, %sub3A : i32
        %mul3A_147 = arith.constant 1 : i32
        %mul3A_148 = arith.muli %sub3A_146, %mul3A_147 : i32
        %add3A_149 = arith.addi %mul3A_2, %mul3A_148 : i32
        %dma_wait3A_150 = arith.constant 0 : i32
        %dma_wait3A_151 = arith.constant 0 : i32
        %dma_wait3A_152 = arith.constant 0 : i32
        %dma_wait3A_153 = tpu.memref_slice %arg5[%rem3A_95, %dma_wait3A_150, %dma_wait3A_151, %dma_wait3A_152] : memref<2x1x200x64xf32, #tpu.memory_space<vmem>> -> memref<1x1x200x64xf32, #tpu.memory_space<vmem>>
        %dma_wait3A_154 = tpu.memref_squeeze %dma_wait3A_153 : memref<1x1x200x64xf32, #tpu.memory_space<vmem>> -> memref<1x200x64xf32, #tpu.memory_space<vmem>>
        %dma_wait3A_155 = arith.constant 0 : i32
        %dma_wait3A_156 = arith.constant 0 : i32
        %dma_wait3A_157 = tpu.memref_slice %arg3[%add3A_149, %dma_wait3A_155, %dma_wait3A_156] : memref<4096x200x64xf32, #tpu.memory_space<hbm>> -> memref<1x200x64xf32, #tpu.memory_space<hbm>>
        %dma_wait3A_158 = tpu.memref_slice %arg7[%rem3A_95] : memref<2x!tpu.dma_semaphore, #tpu.memory_space<semaphore_mem>> -> memref<1x!tpu.dma_semaphore, #tpu.memory_space<semaphore_mem>>
        %dma_wait3A_159 = tpu.memref_squeeze %dma_wait3A_158 : memref<1x!tpu.dma_semaphore, #tpu.memory_space<semaphore_mem>> -> memref<!tpu.dma_semaphore, #tpu.memory_space<semaphore_mem>>
        %dma_wait3A_160 = arith.constant 0 : i32
        %dma_wait3A_161 = arith.constant 0 : i32
        %dma_wait3A_162 = tpu.memref_slice %arg3[%add3A_149, %dma_wait3A_160, %dma_wait3A_161] : memref<4096x200x64xf32, #tpu.memory_space<hbm>> -> memref<1x200x64xf32, #tpu.memory_space<hbm>>
        %dma_wait3A_163 = arith.constant 0 : i32
        %dma_wait3A_164 = arith.constant 0 : i32
        %dma_wait3A_165 = arith.constant 0 : i32
        %dma_wait3A_166 = tpu.memref_slice %arg5[%rem3A_95, %dma_wait3A_163, %dma_wait3A_164, %dma_wait3A_165] : memref<2x1x200x64xf32, #tpu.memory_space<vmem>> -> memref<1x1x200x64xf32, #tpu.memory_space<vmem>>
        %dma_wait3A_167 = tpu.memref_squeeze %dma_wait3A_166 : memref<1x1x200x64xf32, #tpu.memory_space<vmem>> -> memref<1x200x64xf32, #tpu.memory_space<vmem>>
        tpu.wait_dma2 semaphore(%dma_wait3A_159 : memref<!tpu.dma_semaphore, #tpu.memory_space<semaphore_mem>>) src(%dma_wait3A_167 : memref<1x200x64xf32, #tpu.memory_space<vmem>>) dst(%dma_wait3A_162 : memref<1x200x64xf32, #tpu.memory_space<hbm>>)
      } else {
      }
      %mul3A_119 = arith.constant 1 : i32
      %mul3A_120 = arith.muli %scan3A_94, %mul3A_119 : i32
      %add3A_121 = arith.addi %mul3A_2, %mul3A_120 : i32
      %dma_start3A_122 = arith.constant 0 : i32
      %dma_start3A_123 = arith.constant 0 : i32
      %dma_start3A_124 = arith.constant 0 : i32
      %dma_start3A_125 = tpu.memref_slice %arg5[%rem3A_95, %dma_start3A_122, %dma_start3A_123, %dma_start3A_124] : memref<2x1x200x64xf32, #tpu.memory_space<vmem>> -> memref<1x1x200x64xf32, #tpu.memory_space<vmem>>
      %dma_start3A_126 = tpu.memref_squeeze %dma_start3A_125 : memref<1x1x200x64xf32, #tpu.memory_space<vmem>> -> memref<1x200x64xf32, #tpu.memory_space<vmem>>
      %dma_start3A_127 = arith.constant 0 : i32
      %dma_start3A_128 = arith.constant 0 : i32
      %dma_start3A_129 = tpu.memref_slice %arg3[%add3A_121, %dma_start3A_127, %dma_start3A_128] : memref<4096x200x64xf32, #tpu.memory_space<hbm>> -> memref<1x200x64xf32, #tpu.memory_space<hbm>>
      %dma_start3A_130 = tpu.memref_slice %arg7[%rem3A_95] : memref<2x!tpu.dma_semaphore, #tpu.memory_space<semaphore_mem>> -> memref<1x!tpu.dma_semaphore, #tpu.memory_space<semaphore_mem>>
      %dma_start3A_131 = tpu.memref_squeeze %dma_start3A_130 : memref<1x!tpu.dma_semaphore, #tpu.memory_space<semaphore_mem>> -> memref<!tpu.dma_semaphore, #tpu.memory_space<semaphore_mem>>
      %dma_start3A_132 = arith.constant 0 : i32
      %dma_start3A_133 = arith.constant 0 : i32
      %dma_start3A_134 = tpu.memref_slice %arg3[%add3A_121, %dma_start3A_132, %dma_start3A_133] : memref<4096x200x64xf32, #tpu.memory_space<hbm>> -> memref<1x200x64xf32, #tpu.memory_space<hbm>>
      %dma_start3A_135 = arith.constant 0 : i32
      %dma_start3A_136 = arith.constant 0 : i32
      %dma_start3A_137 = arith.constant 0 : i32
      %dma_start3A_138 = tpu.memref_slice %arg5[%rem3A_95, %dma_start3A_135, %dma_start3A_136, %dma_start3A_137] : memref<2x1x200x64xf32, #tpu.memory_space<vmem>> -> memref<1x1x200x64xf32, #tpu.memory_space<vmem>>
      %dma_start3A_139 = tpu.memref_squeeze %dma_start3A_138 : memref<1x1x200x64xf32, #tpu.memory_space<vmem>> -> memref<1x200x64xf32, #tpu.memory_space<vmem>>
      tpu.enqueue_dma source(%dma_start3A_139 : memref<1x200x64xf32, #tpu.memory_space<vmem>>) target(%dma_start3A_134 : memref<1x200x64xf32, #tpu.memory_space<hbm>>) target_semaphore(%dma_start3A_131 : memref<!tpu.dma_semaphore, #tpu.memory_space<semaphore_mem>>)
      %add3A_140 = arith.constant 2 : i32
      %add3A_141 = arith.addi %scan3A_94, %add3A_140 : i32
      %lt3A = arith.constant 128 : i32
      %lt3A_142 = arith.cmpi slt, %add3A_141, %lt3A : i32
      %convert_element_type3A_143 = arith.extui %lt3A_142 : i1 to i32
      %cond3A_144 = arith.constant 0 : i32
      %cond3A_145 = arith.cmpi ne, %convert_element_type3A_143, %cond3A_144 : i32
      scf.if %cond3A_145 {
        %add3A_146 = arith.constant 2 : i32
        %add3A_147 = arith.addi %scan3A_94, %add3A_146 : i32
        %mul3A_148 = arith.constant 1 : i32
        %mul3A_149 = arith.muli %add3A_147, %mul3A_148 : i32
        %add3A_150 = arith.addi %mul3A_2, %mul3A_149 : i32
        %dma_start3A_151 = arith.constant 0 : i32
        %dma_start3A_152 = arith.constant 0 : i32
        %dma_start3A_153 = arith.constant 0 : i32
        %dma_start3A_154 = tpu.memref_slice %arg4[%rem3A_95, %dma_start3A_151, %dma_start3A_152, %dma_start3A_153] : memref<2x1x200x3xf32, #tpu.memory_space<vmem>> -> memref<1x1x200x3xf32, #tpu.memory_space<vmem>>
        %dma_start3A_155 = tpu.memref_squeeze %dma_start3A_154 : memref<1x1x200x3xf32, #tpu.memory_space<vmem>> -> memref<1x200x3xf32, #tpu.memory_space<vmem>>
        %dma_start3A_156 = arith.constant 0 : i32
        %dma_start3A_157 = arith.constant 0 : i32
        %dma_start3A_158 = tpu.memref_slice %arg2[%add3A_150, %dma_start3A_156, %dma_start3A_157] : memref<4096x200x3xf32, #tpu.memory_space<hbm>> -> memref<1x200x3xf32, #tpu.memory_space<hbm>>
        %dma_start3A_159 = tpu.memref_slice %arg6[%rem3A_95] : memref<2x!tpu.dma_semaphore, #tpu.memory_space<semaphore_mem>> -> memref<1x!tpu.dma_semaphore, #tpu.memory_space<semaphore_mem>>
        %dma_start3A_160 = tpu.memref_squeeze %dma_start3A_159 : memref<1x!tpu.dma_semaphore, #tpu.memory_space<semaphore_mem>> -> memref<!tpu.dma_semaphore, #tpu.memory_space<semaphore_mem>>
        %dma_start3A_161 = arith.constant 0 : i32
        %dma_start3A_162 = arith.constant 0 : i32
        %dma_start3A_163 = arith.constant 0 : i32
        %dma_start3A_164 = tpu.memref_slice %arg4[%rem3A_95, %dma_start3A_161, %dma_start3A_162, %dma_start3A_163] : memref<2x1x200x3xf32, #tpu.memory_space<vmem>> -> memref<1x1x200x3xf32, #tpu.memory_space<vmem>>
        %dma_start3A_165 = tpu.memref_squeeze %dma_start3A_164 : memref<1x1x200x3xf32, #tpu.memory_space<vmem>> -> memref<1x200x3xf32, #tpu.memory_space<vmem>>
        %dma_start3A_166 = arith.constant 0 : i32
        %dma_start3A_167 = arith.constant 0 : i32
        %dma_start3A_168 = tpu.memref_slice %arg2[%add3A_150, %dma_start3A_166, %dma_start3A_167] : memref<4096x200x3xf32, #tpu.memory_space<hbm>> -> memref<1x200x3xf32, #tpu.memory_space<hbm>>
        tpu.enqueue_dma source(%dma_start3A_168 : memref<1x200x3xf32, #tpu.memory_space<hbm>>) target(%dma_start3A_165 : memref<1x200x3xf32, #tpu.memory_space<vmem>>) target_semaphore(%dma_start3A_160 : memref<!tpu.dma_semaphore, #tpu.memory_space<semaphore_mem>>)
      } else {
      }
    }
    %scan3A_50 = arith.constant 128 : i32
    %add3A_51 = arith.constant 126 : i32
    %add3A_52 = arith.addi %mul3A_2, %add3A_51 : i32
    %dma_wait3A = arith.constant 0 : i32
    %dma_wait3A_53 = arith.constant 0 : i32
    %dma_wait3A_54 = arith.constant 0 : i32
    %dma_wait3A_55 = arith.constant 0 : i32
    %dma_wait3A_56 = arith.constant 0 : i32
    %dma_wait3A_57 = tpu.memref_slice %arg5[%dma_wait3A, %dma_wait3A_54, %dma_wait3A_55, %dma_wait3A_56] : memref<2x1x200x64xf32, #tpu.memory_space<vmem>> -> memref<1x1x200x64xf32, #tpu.memory_space<vmem>>
    %dma_wait3A_58 = tpu.memref_squeeze %dma_wait3A_57 : memref<1x1x200x64xf32, #tpu.memory_space<vmem>> -> memref<1x200x64xf32, #tpu.memory_space<vmem>>
    %dma_wait3A_59 = arith.constant 0 : i32
    %dma_wait3A_60 = arith.constant 0 : i32
    %dma_wait3A_61 = tpu.memref_slice %arg3[%add3A_52, %dma_wait3A_59, %dma_wait3A_60] : memref<4096x200x64xf32, #tpu.memory_space<hbm>> -> memref<1x200x64xf32, #tpu.memory_space<hbm>>
    %dma_wait3A_62 = tpu.memref_slice %arg7[%dma_wait3A_53] : memref<2x!tpu.dma_semaphore, #tpu.memory_space<semaphore_mem>> -> memref<1x!tpu.dma_semaphore, #tpu.memory_space<semaphore_mem>>
    %dma_wait3A_63 = tpu.memref_squeeze %dma_wait3A_62 : memref<1x!tpu.dma_semaphore, #tpu.memory_space<semaphore_mem>> -> memref<!tpu.dma_semaphore, #tpu.memory_space<semaphore_mem>>
    %dma_wait3A_64 = arith.constant 0 : i32
    %dma_wait3A_65 = arith.constant 0 : i32
    %dma_wait3A_66 = tpu.memref_slice %arg3[%add3A_52, %dma_wait3A_64, %dma_wait3A_65] : memref<4096x200x64xf32, #tpu.memory_space<hbm>> -> memref<1x200x64xf32, #tpu.memory_space<hbm>>
    %dma_wait3A_67 = arith.constant 0 : i32
    %dma_wait3A_68 = arith.constant 0 : i32
    %dma_wait3A_69 = arith.constant 0 : i32
    %dma_wait3A_70 = tpu.memref_slice %arg5[%dma_wait3A, %dma_wait3A_67, %dma_wait3A_68, %dma_wait3A_69] : memref<2x1x200x64xf32, #tpu.memory_space<vmem>> -> memref<1x1x200x64xf32, #tpu.memory_space<vmem>>
    %dma_wait3A_71 = tpu.memref_squeeze %dma_wait3A_70 : memref<1x1x200x64xf32, #tpu.memory_space<vmem>> -> memref<1x200x64xf32, #tpu.memory_space<vmem>>
    tpu.wait_dma2 semaphore(%dma_wait3A_63 : memref<!tpu.dma_semaphore, #tpu.memory_space<semaphore_mem>>) src(%dma_wait3A_71 : memref<1x200x64xf32, #tpu.memory_space<vmem>>) dst(%dma_wait3A_66 : memref<1x200x64xf32, #tpu.memory_space<hbm>>)
    %add3A_72 = arith.constant 127 : i32
    %add3A_73 = arith.addi %mul3A_2, %add3A_72 : i32
    %dma_wait3A_74 = arith.constant 1 : i32
    %dma_wait3A_75 = arith.constant 1 : i32
    %dma_wait3A_76 = arith.constant 0 : i32
    %dma_wait3A_77 = arith.constant 0 : i32
    %dma_wait3A_78 = arith.constant 0 : i32
    %dma_wait3A_79 = tpu.memref_slice %arg5[%dma_wait3A_74, %dma_wait3A_76, %dma_wait3A_77, %dma_wait3A_78] : memref<2x1x200x64xf32, #tpu.memory_space<vmem>> -> memref<1x1x200x64xf32, #tpu.memory_space<vmem>>
    %dma_wait3A_80 = tpu.memref_squeeze %dma_wait3A_79 : memref<1x1x200x64xf32, #tpu.memory_space<vmem>> -> memref<1x200x64xf32, #tpu.memory_space<vmem>>
    %dma_wait3A_81 = arith.constant 0 : i32
    %dma_wait3A_82 = arith.constant 0 : i32
    %dma_wait3A_83 = tpu.memref_slice %arg3[%add3A_73, %dma_wait3A_81, %dma_wait3A_82] : memref<4096x200x64xf32, #tpu.memory_space<hbm>> -> memref<1x200x64xf32, #tpu.memory_space<hbm>>
    %dma_wait3A_84 = tpu.memref_slice %arg7[%dma_wait3A_75] : memref<2x!tpu.dma_semaphore, #tpu.memory_space<semaphore_mem>> -> memref<1x!tpu.dma_semaphore, #tpu.memory_space<semaphore_mem>>
    %dma_wait3A_85 = tpu.memref_squeeze %dma_wait3A_84 : memref<1x!tpu.dma_semaphore, #tpu.memory_space<semaphore_mem>> -> memref<!tpu.dma_semaphore, #tpu.memory_space<semaphore_mem>>
    %dma_wait3A_86 = arith.constant 0 : i32
    %dma_wait3A_87 = arith.constant 0 : i32
    %dma_wait3A_88 = tpu.memref_slice %arg3[%add3A_73, %dma_wait3A_86, %dma_wait3A_87] : memref<4096x200x64xf32, #tpu.memory_space<hbm>> -> memref<1x200x64xf32, #tpu.memory_space<hbm>>
    %dma_wait3A_89 = arith.constant 0 : i32
    %dma_wait3A_90 = arith.constant 0 : i32
    %dma_wait3A_91 = arith.constant 0 : i32
    %dma_wait3A_92 = tpu.memref_slice %arg5[%dma_wait3A_74, %dma_wait3A_89, %dma_wait3A_90, %dma_wait3A_91] : memref<2x1x200x64xf32, #tpu.memory_space<vmem>> -> memref<1x1x200x64xf32, #tpu.memory_space<vmem>>
    %dma_wait3A_93 = tpu.memref_squeeze %dma_wait3A_92 : memref<1x1x200x64xf32, #tpu.memory_space<vmem>> -> memref<1x200x64xf32, #tpu.memory_space<vmem>>
    tpu.wait_dma2 semaphore(%dma_wait3A_85 : memref<!tpu.dma_semaphore, #tpu.memory_space<semaphore_mem>>) src(%dma_wait3A_93 : memref<1x200x64xf32, #tpu.memory_space<vmem>>) dst(%dma_wait3A_88 : memref<1x200x64xf32, #tpu.memory_space<hbm>>)
    return
  }
}

</mosaic_0001>

<sc_bundles>
// kernel: kernel.3.cloned.1.call-start
scs
__scs_entry_jumppad:
0x0: {  	(pc) =	sbr.rel $0x88, $3  }
0x1: {  	(tag) =	ssettag $0x0;
	lr =	simm.s32 $0x1  }
0x2: {  	[smem:$0x3FA0] =	sst lr;
	_ =	strace $0xD0000000  }
0x3: {  	_ = 	snop  }
0x4: {  	_ = 	snop  }
0x5: {  	_ = 	snop  }
0x6: {  	_ = 	snop  }
0x7: {  	_ = 	snop  }
__scs_overlays_trampoline_lowered:
0x8: {  	[smem:$0x3FAF] =	sst s0  }
0x9: {  	[smem:$0x3FB0] =	sst s1  }
0xa: {  	[smem:$0x3FB1] =	sst s2  }
0xb: {  	[smem:$0x3FB2] =	sst s3  }
0xc: {  	[smem:$0x3FB3] =	sst s4  }
0xd: {  	[smem:$0x3FB4] =	sst s5  }
0xe: {  	[smem:$0x3FB5] =	sst s6  }
0xf: {  	[smem:$0x3FB6] =	sst s7  }
0x10: {  	[smem:$0x3FB7] =	sst s8  }
0x11: {  	[smem:$0x3FB8] =	sst s9;
	s0 =	simm.s32 @!p0 $0x0  }
0x12: {  	s1 =	sld [smem:$0x3F9E];
	s0 =	simm.s32 @p0 $0x1  }
0x13: {  	[smem:$0x3FB9] =	sst s0;
	s0 =	simm.s32 @!p1 $0x0  }
0x14: {  	s2 =	sld [smem:$0x3F9D];
	s0 =	simm.s32 @p1 $0x1  }
0x15: {  	[smem:$0x3FBA] =	sst s0;
	s0 =	simm.s32 @!p2 $0x0  }
0x16: {  	s3 =	sld [smem:$0x3FDB];
	s0 =	simm.s32 @p2 $0x1  }
0x17: {  	s4 =	simm.s32 $0x1BF5;
	[smem:$0x3FBC] =	sst s0  }
0x18: {  	s0 =	sld [smem:$0x3F9F];
	_ =	swait.ge [sflag:s4], $0x0  }
0x19: {  	s7 =	sld [smem:$0x3FA0]  }
0x1a: {  	s8 =	sadd.s32 $0xFFFFE003, lr  }
0x1b: {  	s9 =	sadd.s32 $0xFFFFFEF7, lr;
	s5 =	simm.s32 $0xFFFFFFFF;
	p2 =	slt.u32 s8, $0xFFFFF086  }
0x1c: {  	p1 =	slt.u32 s9, $0xF7A;
	s5 =	simm.s32 @!p2 $0x0  }
0x1d: {  	s5 =	simm.s32 @p1 $0x1;
	p0 =	seq.s32 s7, s2  }
0x1e: {  	s7 =	smul.u32 @!p0 $0xF7A, s2;
	p2 =	seq.s32 @!p0 s5, $0x0  }
0x1f: {  	s9 =	smul.u32 $0xF7A, s1;
	s8 =	simm.s32 @!p0 $0x1BF5;
	p2 =	por !p2, p0  }
0x20: {  	[sflag:s8] =	ssyncset.s32 @!p0 $0xFFFFF086;
	s6 =	sadd.s32 @!p0 s3, s7;
	s7 =	simm.s32 @!p0 $0x108  }
0x21: {  	s3 =	sadd.s32 s3, s9;
	s6 =	sadd.s32 @!p0 $0x88, s6;
	s7 =	simm.s32 @p2 $0x1082  }
0x22: {  	[simem:s7], [sflag:s8] =	dma.local @!p0 [hbm:s6], $0xF7A  }
0x23: {  	s9 =	sor.u32 $0xD0000000, s2;
	s6 =	simm.s32 $0x108;
	_ =	swait.ge @!p0 [sflag:s8], $0x0  }
0x24: {  	s3 =	sadd.s32 $0x88, s3;
	s6 =	simm.s32 @!p1 $0x1082;
	[sflag:s4] =	ssyncset.s32 $0xFFFFF086  }
0x25: {  	[simem:s6], [sflag:s4] =	dma.local [hbm:s3], $0xF7A  }
0x26: {  	[smem:$0x3FA0] =	sst s1;
	(tag) =	ssettag s2;
	_ =	strace s9  }
0x27: {  	s1 =	sld [smem:$0x3FB0]  }
0x28: {  	s2 =	sld [smem:$0x3FB1]  }
0x29: {  	s4 =	sld [smem:$0x3FB3]  }
0x2a: {  	p0 =	seq.s32 s5, $0x0;
	s5 =	sld [smem:$0x3FB4]  }
0x2b: {  	s6 =	sld [smem:$0x3FB5]  }
0x2c: {  	s7 =	sld [smem:$0x3FB6]  }
0x2d: {  	s3 =	simm.s32 $0x108;
	s8 =	sld [smem:$0x3FB7]  }
0x2e: {  	s3 =	simm.s32 @!p0 $0x1082;
	s9 =	sld [smem:$0x3FB8]  }
0x2f: {  	lr =	sadd.s32 s0, s3;
	s0 =	sld [smem:$0x3FAF]  }
0x30: {  	s3 =	sld [smem:$0x3FB2]  }
0x31: {  	[smem:$0x3FBB] =	sst s10  }
0x32: {  	s10 =	sld [smem:$0x3FB9];
	_ =	sdelay $0x3  }
0x33: {  	p0 =	seq.s32 s10, $0x1;
	s10 =	sld [smem:$0x3FBB];
	_ =	sdelay $0x3  }
0x34: {  	[smem:$0x3FBB] =	sst s10  }
0x35: {  	s10 =	sld [smem:$0x3FBA];
	_ =	sdelay $0x3  }
0x36: {  	p1 =	seq.s32 s10, $0x1;
	s10 =	sld [smem:$0x3FBB];
	_ =	sdelay $0x3  }
0x37: {  	[smem:$0x3FBB] =	sst s10  }
0x38: {  	s10 =	sld [smem:$0x3FBC]  }
0x39: {  	_ = 	snop;
	(pc) =	sbr.ind lr, $3  }
0x3a: {  	_ = 	snop  }
0x3b: {  	_ = 	snop  }
0x3c: {  	p2 =	seq.s32 s10, $0x1;
	s10 =	sld [smem:$0x3FBB]  }
0x3d: {  	_ =	shalt  }
0x3e: {  	_ =	shalt  }
0x3f: {  	_ =	shalt  }
0x40: {  	_ =	shalt  }
0x41: {  	_ =	shalt  }
0x42: {  	_ =	shalt  }
0x43: {  	_ =	shalt  }
0x44: {  	_ =	shalt  }
0x45: {  	_ =	shalt  }
0x46: {  	_ =	shalt  }
0x47: {  	_ =	shalt  }
0x48: {  	_ =	shalt  }
0x49: {  	_ =	shalt  }
0x4a: {  	_ =	shalt  }
0x4b: {  	_ =	shalt  }
0x4c: {  	_ =	shalt  }
0x4d: {  	_ =	shalt  }
0x4e: {  	_ =	shalt  }
0x4f: {  	_ =	shalt  }
0x50: {  	_ =	shalt  }
0x51: {  	_ =	shalt  }
0x52: {  	_ =	shalt  }
0x53: {  	_ =	shalt  }
0x54: {  	_ =	shalt  }
0x55: {  	_ =	shalt  }
0x56: {  	_ =	shalt  }
0x57: {  	_ =	shalt  }
0x58: {  	_ =	shalt  }
0x59: {  	_ =	shalt  }
0x5a: {  	_ =	shalt  }
0x5b: {  	_ =	shalt  }
0x5c: {  	_ =	shalt  }
0x5d: {  	_ =	shalt  }
0x5e: {  	_ =	shalt  }
0x5f: {  	_ =	shalt  }
0x60: {  	_ =	shalt  }
0x61: {  	_ =	shalt  }
0x62: {  	_ =	shalt  }
0x63: {  	_ =	shalt  }
0x64: {  	_ =	shalt  }
0x65: {  	_ =	shalt  }
0x66: {  	_ =	shalt  }
0x67: {  	_ =	shalt  }
0x68: {  	_ =	shalt  }
0x69: {  	_ =	shalt  }
0x6a: {  	_ =	shalt  }
0x6b: {  	_ =	shalt  }
0x6c: {  	_ =	shalt  }
0x6d: {  	_ =	shalt  }
0x6e: {  	_ =	shalt  }
0x6f: {  	_ =	shalt  }
0x70: {  	_ =	shalt  }
0x71: {  	_ =	shalt  }
0x72: {  	_ =	shalt  }
0x73: {  	_ =	shalt  }
0x74: {  	_ =	shalt  }
0x75: {  	_ =	shalt  }
0x76: {  	_ =	shalt  }
0x77: {  	_ =	shalt  }
0x78: {  	_ =	shalt  }
0x79: {  	_ =	shalt  }
0x7a: {  	_ =	shalt  }
0x7b: {  	_ =	shalt  }
0x7c: {  	_ =	shalt  }
0x7d: {  	_ =	shalt  }
0x7e: {  	_ =	shalt  }
0x7f: {  	_ =	shalt  }
0x80: {  	_ =	shalt  }
0x81: {  	_ =	shalt  }
0x82: {  	_ =	shalt  }
0x83: {  	_ =	shalt  }
0x84: {  	_ =	shalt  }
0x85: {  	_ =	shalt  }
0x86: {  	_ =	shalt  }
0x87: {  	_ =	shalt  }
.Lfunc_end0:
.L_simem_size_0:
called_computation_lowered:
.L_overlay_start_0:
0x88: {  	s2 =	sld [smem:$0x3FD9]  }
0x89: {  	s3 =	sld [smem:$0x3FFE];
	_ =	sdelay $0x1  }
0x8a: {  	s1 =	srdreg.scid  }
0x8b: {  	s0 =	sand.u32 $0x1, s1  }
0x8c: {  	s16 =	sshll.u32 s0, $0xA;
	s2 =	sadd.s32 s3, s2  }
0x8d: {  	s2 =	sadd.s32 s2, s16  }
0x8e: {  	[smem:$0x3FC7] =	sst s2  }
0x8f: {  	_ = 	snop  }
0x90: {  	(tm) =	ssettm $0x1  }
0x91: {  	s17 =	sld [smem:$0x3FFB];
	_ =	sdelay $0x3  }
0x92: {  	_ =	strace s17  }
0x93: {  	s2 =	sld [smem:$0x3FFC];
	_ =	sdelay $0x3  }
0x94: {  	_ =	strace s2  }
0x95: {  	s2 =	sld [smem:$0x3FFD];
	_ =	sdelay $0x3  }
0x96: {  	_ =	strace s2  }
0x97: {  	_ =	strace $0x8FFFFFFF  }
0x98: {  	s18 =	sld [smem:$0x3FDB];
	_ =	sdelay $0x1  }
0x99: {  	s19 =	simm.s32 $_scs_section_size  }
0x9a: {  	s4 =	simm.s32 $_size__tile_overlayer_lowered;
	s5 =	simm.s32 $_tile_overlayer_lowered  }
0x9b: {  	s22 =	simm.s32 $0x1BFF;
	s21 =	sshll.u32 s5, $0x1;
	s2 =	sadd.s32 s19, s18  }
0x9c: {  	s6 =	simm.s32 $0x0;
	s20 =	sshll.u32 s4, $0x1;
	s4 =	sadd.s32 s21, s2  }
0x9d: {  	[timem:s6], [sflag:s22] =	dma.local [hbm:s4], s20  }
0x9e: {  	_ =	swait.ge [sflag:s22], s20  }
0x9f: {  	s3 =	ssub.s32 $0x0, s20;
	[sflag:s22] =	ssyncset.done $0x0  }
0xa0: {  	[sflag:s22] =	ssyncadd.s32 s3;
	_ =	sdelay $0x1  }
0xa1: {  	s23 =	simm.s32 $0x1B8B  }
0xa2: {  	_ =	swait.ge [sflag:s23], $0x1  }
0xa3: {  	[sflag:s23] =	ssyncset.done $0x0  }
0xa4: {  	s25 =	simm.s32 $0x1B8E;
	s24 =	sld [smem:$0x3FFE];
	[sflag:s23] =	ssyncadd.s32 $0xFFFFFFFF  }
0xa5: {  	s26 =	simm.s32 $execute0_lowered;
	[smem:$0x3FD2] =	sst s25  }
0xa6: {  	s4 =	sshll.u32 s26, $0x1;
	_ =	strace $0x80000046;
	[dreg:$0x1] =	wrdreg $0xFFFFFFFF  }
0xa7: {  	s28 =	simm.s32 $_size_execute0_lowered;
	s2 =	sadd.s32 s2, s4;
	[dreg:$0x0] =	wrdreg $0x0  }
0xa8: {  	s4 =	sshll.u32 s28, $0x1;
	[dreg:$0x2] =	wrdreg s2  }
0xa9: {  	[dreg:$0x3] =	wrdreg s4  }
0xaa: {  	[dreg:$0x4] =	wrdreg $0xC0  }
0xab: {  	_ =	task [dreg:s6], $0x5FFFF  }
0xac: {  	[dreg:$0x1] =	wrdreg $0xFFFFFFFF  }
0xad: {  	[dreg:$0x0] =	wrdreg $0x60  }
0xae: {  	[dreg:$0x2] =	wrdreg s24  }
0xaf: {  	[dreg:$0x3] =	wrdreg $0x9  }
0xb0: {  	_ =	task.clear_ibuf [dreg:s6], $0x4FFFF;
	_ =	strace $0x90000046  }
0xb1: {  	s29 =	simm.s32 $0x9;
	_ =	strace $0x80000048  }
0xb2: {  	_ =	swait.ge [sflag:s29], $0x1  }
0xb3: {  	[sflag:s29] =	ssyncadd.s32 $0xFFFFFFFF  }
0xb4: {  	_ =	strace $0x90000048  }
0xb5: {  	_ =	sfence  }
0xb6: {  	s30 =	sld [smem:$0x0];
	_ =	sdelay $0x2  }
0xb7: {  	s31 =	sshll.u32 s1, $0xD;
	s1 =	sshrl.u32 s1, $0x2  }
0xb8: {  	s3 =	sand.u32 $0x4000, s31;
	s1 =	sadd.s32 s1, s30  }
0xb9: {  	s0 =	sor.u32 s3, s0;
	s1 =	sshll.u32 s1, $0x11  }
0xba: {  	s0 =	sor.u32 s1, s0  }
0xbb: {  	s0 =	sadd.s32 $0x8F2B, s0  }
0xbc: {  	[sflag:s0] =	ssyncadd.remote.s32 $0x1  }
0xbd: {  	_ =	sfence.sel $0xFFFF  }
0xbe: {  	[dreg:$0x0] =	wrdreg $0xFFFFFFFF;
	(pc) =	sbr.abs _section_cstart, $3  }
0xbf: {  	[dreg:$0x1] =	wrdreg $0xFFFFFFFF  }
0xc0: {  	_ =	task.clear_ibuf [dreg:s6], $0x2FFFF;
	_ =	strace $0x9FFFFFFF  }
0xc1: {  	(tm) =	ssettm $0x7FFFFFFF  }
tec
execute0_lowered:
.L_overlay_start_1:
0x0: {  	(tag) =	ssettag $0x1  }
0x1: {  	s3 =	rddreg [dreg:$0x0]  }
0x2: {  	s0 =	rddreg [dreg:$0x1]  }
0x3: {  	s4 =	srdreg.scid;
	s2 =	simm.s32 $0x0;
	s1 =	stileid.u32  }
0x4: {  	s14 =	simm.s32 $0xC800;
	s15 =	simm.s32 $0x12C00;
	s16 =	simm.s32 $0x3  }
0x5: {  	s17 =	simm.s32 $0x4;
	s18 =	simm.s32 $0x0;
	s8 =	sand.u32 $0x1, s4  }
0x6: {  	[smem:$0x7FF] =	sst s2;
	s28 =	sshll.u32 s1, $0x8;
	s9 =	sadd.s32 $0x400, s3  }
0x7: {  	s10 =	sadd.s32 $0xC80400, s3;
	s11 =	smul.u32 $0xC8000, s1;
	s5 =	sshll.u32 s8, $0x7  }
0x8: {  	_ =	strace $0x80000047;
	s29 =	ssub.s32 $0x2, s8;
	s12 =	smul.u32 $0x64000, s8  }
0x9: {  	s4 =	sor.u32 s5, s28;
	s30 =	sshrl.u32 s29, $0x1;
	s13 =	sadd.s32 s11, s9  }
0xa: {  	s6 =	smul.u32 $0xC80, s4;
	s4 =	sor.u32 $0x2, s4;
	s5 =	ssub.s32 s29, s30  }
0xb: {  	s31 =	sadd.s32 s12, s13;
	s13 =	simm.s32 $0x1;
	s7 =	smul.u32 $0xC80, s4  }
0xc: {  	s5 =	smax.u32 s5, $0x1;
	s3 =	sadd.s32 s9, s6;
	s6 =	sadd.s32 s10, s6  }
0xd: {  	s10 =	sadd.s32 s11, s10;
	s4 =	sadd.s32 $0xC80, s3;
	s7 =	sadd.s32 s9, s7  }
0xe: {  	s8 =	sadd.s32 $0xC80, s6;
	s9 =	sadd.s32 $0x2580, s3;
	s12 =	sadd.s32 s12, s10  }
0xf: {  	s10 =	sadd.s32 $0x3200, s31;
	s11 =	sadd.s32 $0x1900, s12;
	s12 =	simm.s32 $0x6400  }
.LBB2_1:
0x10: {  	[tilespmem:s2], [sflag:$0x1] =	stream.linear.gather [hbm4b:s3+s2], $0x6400, $0x38;
	[tilespmem:$0x19000] =	vst v63  }
0x11: {  	_ = 	snop  }
0x12: {  	[tilespmem:s12], [sflag:$0x2] =	stream.linear.gather [hbm4b:s4+s2], $0x6400, $0x38;
	[tilespmem:$0x19000] =	vst v63  }
0x13: {  	_ =	swait.ge [sflag:s13], $0x6400  }
0x14: {  	[sflag:s13] =	ssyncset.done $0x0  }
0x15: {  	[sflag:s13] =	ssyncadd.s32 $0xFFFF9C00  }
0x16: {  	[hbm4b:s6+s2] =	stream.linear.scatter [tilespmem:s14], [sflag:$0x3], $0x6400, $0x38;
	[tilespmem:$0x19000] =	vst v63  }
0x17: {  	s19 =	simm.s32 $0x2  }
0x18: {  	[tilespmem:s2], [sflag:$0x1] =	stream.linear.gather [hbm4b:s7+s2], $0x6400, $0x38;
	[tilespmem:$0x19000] =	vst v63  }
0x19: {  	_ =	swait.ge [sflag:s19], $0x6400  }
0x1a: {  	[sflag:s19] =	ssyncset.done $0x0  }
0x1b: {  	[sflag:s19] =	ssyncadd.s32 $0xFFFF9C00;
	s19 =	sand.u32 $0x1, s19  }
0x1c: {  	[hbm4b:s8+s2] =	stream.linear.scatter [tilespmem:s15], [sflag:$0x4], $0x6400, $0x38;
	[tilespmem:$0x19000] =	vst v63  }
0x1d: {  	s22 =	sadd.s32 $0x1, s19  }
0x1e: {  	[tilespmem:s12], [sflag:$0x2] =	stream.linear.gather [hbm4b:s9+s2], $0x6400, $0x38;
	[tilespmem:$0x19000] =	vst v63  }
0x1f: {  	_ =	swait.ge [sflag:s22], $0x6400  }
0x20: {  	[sflag:s22] =	ssyncset.done $0x0  }
0x21: {  	s20 =	sadd.s32 $0x3, s19;
	[sflag:s22] =	ssyncadd.s32 $0xFFFF9C00  }
0x22: {  	s21 =	simm.s32 $0x3;
	s24 =	smul.u32 $0x6400, s19;
	_ =	swait.ge [sflag:s20], $0x6400  }
0x23: {  	s23 =	simm.s32 $0x4;
	p0 =	por $0x0, $0x0;
	[sflag:s20] =	ssyncset.done $0x0  }
0x24: {  	s26 =	smov.u32 s10;
	s19 =	sadd.s32 $0xC800, s24;
	[sflag:s20] =	ssyncadd.s32 $0xFFFF9C00  }
0x25: {  	[hbm4b:s11+s2] =	stream.linear.scatter [tilespmem:s19], [sflag:s20], $0x6400, $0x38;
	[tilespmem:$0x19000] =	vst v63  }
0x26: {  	s25 =	sand.u32 $0x1, s21;
	s19 =	sadd.s32 $0xC80, s11;
	s20 =	sadd.s32 $0xC80, s10  }
.LBB2_2:
0x27: {  	s28 =	sadd.s32 $0x1, s25;
	s29 =	simm.s32 @!p0 $0x0;
	s30 =	smov.u32 s21  }
0x28: {  	s21 =	smov.u32 s23;
	s23 =	sadd.s32 $0x1, s23;
	s31 =	smov.u32 s19  }
0x29: {  	[tilespmem:s24], [sflag:s22] =	stream.linear.gather @!p0 [hbm4b:s26+s29], $0x6400, $0x38;
	[tilespmem:$0x19000] =	vst v63  }
0x2a: {  	p1 =	sne.s32 s23, $0x80;
	s22 =	smov.u32 s28;
	_ =	swait.ge [sflag:s28], $0x6400  }
0x2b: {  	s26 =	smov.u32 s20;
	[sflag:s22] =	ssyncset.done $0x0  }
.Ltmp0:
0x2c: {  	s28 =	sadd.s32 $0x3, s25;
	[sflag:s22] =	ssyncadd.s32 $0xFFFF9C00;
	(pc) =	sbr.rel @p1 .LBB2_2-.Ltmp0, $4  }
0x2d: {  	s19 =	sadd.s32 $0xC80, s19;
	s24 =	smul.u32 $0x6400, s25;
	_ =	swait.ge [sflag:s28], $0x6400  }
0x2e: {  	p0 =	sgt.u32 s30, $0x7D;
	s20 =	sadd.s32 $0xC80, s20;
	[sflag:s28] =	ssyncset.done $0x0  }
0x2f: {  	s25 =	sand.u32 $0x1, s21;
	s29 =	sadd.s32 $0xC800, s24;
	[sflag:s28] =	ssyncadd.s32 $0xFFFF9C00  }
0x30: {  	[hbm4b:s31+s2] =	stream.linear.scatter [tilespmem:s29], [sflag:s28], $0x6400, $0x38;
	[tilespmem:$0x19000] =	vst v63  }
0x31: {  	s23 =	sadd.s32 $0x1, s25;
	s28 =	simm.s32 @!p0 $0x0  }
0x32: {  	[tilespmem:s24], [sflag:s22] =	stream.linear.gather @!p0 [hbm4b:s26+s28], $0x6400, $0x38;
	[tilespmem:$0x19000] =	vst v63  }
0x33: {  	_ =	swait.ge [sflag:s23], $0x6400  }
0x34: {  	[sflag:s23] =	ssyncset.done $0x0  }
0x35: {  	s30 =	sadd.s32 $0x3, s25;
	[sflag:s23] =	ssyncadd.s32 $0xFFFF9C00  }
0x36: {  	s24 =	smul.u32 $0x6400, s25;
	_ =	swait.ge [sflag:s30], $0x6400  }
0x37: {  	[sflag:s30] =	ssyncset.done $0x0  }
0x38: {  	p0 =	sgt.u32 s21, $0x7D;
	s31 =	sadd.s32 $0xC800, s24;
	[sflag:s30] =	ssyncadd.s32 $0xFFFF9C00  }
0x39: {  	[hbm4b:s19+s2] =	stream.linear.scatter [tilespmem:s31], [sflag:s30], $0x6400, $0x38;
	[tilespmem:$0x19000] =	vst v63  }
0x3a: {  	s18 =	sadd.s32 $0x1, s18;
	s19 =	simm.s32 @!p0 $0x0  }
0x3b: {  	[tilespmem:s24], [sflag:s23] =	stream.linear.gather @!p0 [hbm4b:s20+s19], $0x6400, $0x38;
	[tilespmem:$0x19000] =	vst v63  }
0x3c: {  	p0 =	sne.s32 s18, s5;
	_ =	swait.ge [sflag:s16], $0x6400  }
.Ltmp1:
0x3d: {  	[sflag:s16] =	ssyncset.done $0x0;
	(pc) =	sbr.rel @p0 .LBB2_1-.Ltmp1, $4  }
0x3e: {  	[sflag:s16] =	ssyncadd.s32 $0xFFFF9C00  }
0x3f: {  	_ =	swait.ge [sflag:s17], $0x6400  }
0x40: {  	[sflag:s17] =	ssyncset.done $0x0  }
0x41: {  	[sflag:s17] =	ssyncadd.s32 $0xFFFF9C00  }
0x42: {  	_ =	sfence.sel $0x180000  }
0x43: {  	[bflag:$0x0] =	sbarrier.arrive $0xFFFF  }
0x44: {  	p0 =	sne.s32 s1, $0x0;
	_ =	strace $0x90000047  }
0x45: {  	s0 =	sadd.s32 @!p0 $0x100000, s0;
	[bflag:$0x2] =	sbarrier.arrive $0xFFFF  }
0x46: {  	[sflag:s0] =	ssyncadd.tile.s32 @!p0 $0x1;
	_ =	shalt  }
.Lfunc_end2:
_tile_overlayer_lowered:
.L_overlay_start_2:
0x47: {  	(tag) =	ssettag $0x2  }
0x48: {  	s0 =	rddreg [dreg:$0x0];
	s2 =	stileid.u32  }
0x49: {  	s1 =	rddreg [dreg:$0x1];
	p0 =	sne.s32 s2, $0x0  }
0x4a: {  	s3 =	rddreg [dreg:$0x2];
	[bflag:$0x3] =	sbarrier.arrive $0xFFFF;
	s2 =	simm.s32 @!p0 $0x1C05  }
0x4b: {  	[timem:s3], [sflag:s2] =	dma.local @!p0 [hbm:s0], s1  }
0x4c: {  	s0 =	simm.s32 @!p0 $0x5  }
0x4d: {  	_ =	swait.ge @!p0 [sflag:s0], s1  }
0x4e: {  	s1 =	ssub.s32 @!p0 $0x0, s1;
	[sflag:s0] =	ssyncset.done @!p0 $0x0  }
0x4f: {  	[sflag:s0] =	ssyncadd.s32 @!p0 s1  }
0x50: {  	[bflag:$0x3] =	sbarrier.arrive $0xFFFF  }
0x51: {  	_ =	shalt  }

</sc_bundles>
